<compile_context>
chip_gen: v7x
topology: tpu7x:2x2x1
jax: 0.10.2.dev20260603
libtpu: 0.0.44.dev20260713+nightly
codegen_flags: <defaults>
</compile_context>

<pallas_src>
import dataclasses
import functools

import jax
import jax.numpy as jnp
from jax import lax
from jax.experimental import pallas as pl
from jax.experimental.pallas import tpu as pltpu
from jax.experimental.pallas import tpu_sc as plsc

BINS = 2048
HMIN = -4.0
INV_W = 256.0

NC = 2
NS = 16
L = 16
NW = NC * NS

BLOCK = 16384

STRIDE = 2064


def _sc_partial_hists(x):
    n = x.shape[0]
    nblk = n // BLOCK
    mesh = plsc.VectorSubcoreMesh(core_axis_name="core", subcore_axis_name="subcore")
    cp = pltpu.CompilerParams()
    if "needs_layout_passes" in pltpu.CompilerParams.__dataclass_fields__:
        cp = dataclasses.replace(cp, needs_layout_passes=False)

    @functools.partial(
        pl.kernel,
        out_type=jax.ShapeDtypeStruct((NW, BINS), jnp.float32),
        mesh=mesh,
        compiler_params=cp,
        scratch_types=[
            pltpu.VMEM((STRIDE,), jnp.float32),
        ],
    )
    def k(x_hbm, out_hbm, hist):
        wid = lax.axis_index("core") * NS + lax.axis_index("subcore")

        @pl.loop(0, STRIDE, step=8 * L)
        def _zero(i):
            for j in range(8):
                hist[pl.ds(i + j * L, L)] = jnp.zeros((L,), jnp.float32)

        ones = jnp.ones((L,), jnp.float32)

        def body(x_vmem):
            @plsc.parallel_loop(0, BLOCK, L, unroll=8)
            def _(c):
                v = x_vmem[pl.ds(c, L)]
                u = (v - HMIN) * INV_W
                idx = u.astype(jnp.int32)
                mask = jnp.abs(v) <= 4.0
                plsc.addupdate_scatter(hist, [idx], ones, mask=mask)

        pltpu.emit_pipeline(
            body,
            grid=(nblk,),
            in_specs=[pl.BlockSpec((BLOCK,), lambda i: (i,))],
            core_axis_name=("core", "subcore"),
            dimension_semantics=(pltpu.PARALLEL,),
            trace_scopes=False,
        )(x_hbm)

        tail = hist[pl.ds(BINS - L, L)]
        extra = hist[pl.ds(BINS, L)]
        hist[pl.ds(BINS - L, L)] = tail + lax.rev(extra, (0,))

        pltpu.sync_copy(hist.at[pl.ds(0, BINS)], out_hbm.at[wid])

    return k(x)


def _tc_combine(parts):
    def body(p_ref, o_ref):
        o_ref[...] = jnp.sum(p_ref[...], axis=0, keepdims=True)

    out = pl.pallas_call(
        body,
        out_shape=jax.ShapeDtypeStruct((1, BINS), jnp.float32),
    )(parts)
    return out.reshape(BINS)


def kernel(x, out):
    del out
    parts = _sc_partial_hists(x)
    hist = _tc_combine(parts)
    return (hist, hist)

# --- scband reference (transcript-rebuilt; emitter-appended) ---
"""Pipeline reference for scband-aten-histc-out-36687610643116 (READ-ONLY COPY).

The authoritative reference and input builder live on the scoring server;
editing this copy changes nothing except your own understanding.
"""

import jax, jax.numpy as jnp
import numpy as np

BINS = 2048
HMIN = -4.0
HMAX = 4.0
N = 33554432


def setup_inputs(seed: int = 0) -> dict:
    key = jax.random.key(seed)
    x = jax.random.normal(key, (N,), dtype=jnp.float32)
    out = jnp.zeros((BINS,), dtype=jnp.float32)
    return {"x": x, "out": out}


def reference(x, out):
    # Faithful jax translation of torch.histc(x, bins=BINS, min=HMIN, max=HMAX, out=out).
    # torch.histc semantics: elements < min or > max are ignored; bin i covers
    # [min + i*w, min + (i+1)*w) with the last bin inclusive of max.
    w = (HMAX - HMIN) / BINS
    idx = jnp.floor((x - HMIN) / w).astype(jnp.int32)
    # x == HMAX maps to idx == BINS, fold into last bin; clip also handles it.
    idx = jnp.clip(idx, 0, BINS - 1)
    mask = (x >= HMIN) & (x <= HMAX)
    hist = jnp.zeros((BINS,), dtype=jnp.float32).at[idx].add(mask.astype(jnp.float32))
    # out is overwritten in-place in torch; functionally both returns equal hist.
    return (hist, hist)

if __name__ == "__main__":
    import jax
    _d = setup_inputs()
    print(jax.jit(kernel)(*tuple(_d.values())))

</pallas_src>

<mosaic_0001>
#map = affine_map<(d0, d1) -> (0)>
#map1 = affine_map<(d0, d1) -> (0, 0)>
module attributes {stable_mosaic.version = 14 : i64} {
  func.func @k(%arg0: i32, %arg1: i32, %arg2: memref<33554432xf32, #tpu.memory_space<hbm>>, %arg3: memref<32x2048xf32, #tpu.memory_space<hbm>>, %arg4: memref<2064xf32, #tpu.memory_space<vmem>>) attributes {dimension_semantics = [#tpu.dimension_semantics<core_parallel>, #tpu.dimension_semantics<subcore_parallel>], iteration_bounds = array<i64: 2, 16>, scalar_prefetch = 0 : i64, scratch_operands = 1 : i64, tpu.core_type = #tpu.core_type<sc_vector_subcore>, window_params = [{transform_indices = #map}, {transform_indices = #map1}]} {
    %mul3A = arith.constant 16 : i32
    %mul3A_0 = arith.muli %arg0, %mul3A : i32
    %add3A = arith.addi %mul3A_0, %arg1 : i32
    %scan3A = arith.constant 0 : i32
    %scan3A_1 = arith.constant 17 : i32
    %scan3A_2 = arith.addi %scan3A, %scan3A_1 : i32
    %scan3A_3 = arith.constant 1 : i32
    scf.for %scan3A_24 = %scan3A to %scan3A_2 step %scan3A_3  : i32 {
      %mul3A_25 = arith.constant 128 : i32
      %mul3A_26 = arith.muli %scan3A_24, %mul3A_25 : i32
      %add3A_27 = arith.constant 0 : i32
      %add3A_28 = arith.addi %add3A_27, %mul3A_26 : i32
      %broadcast_in_dim3A_29 = arith.constant 0.000000e+00 : f32
      %broadcast_in_dim3A_30 = vector.broadcast %broadcast_in_dim3A_29 : f32 to vector<16xf32>
      %add3A_31 = arith.constant 0 : i32
      %add3A_32 = arith.addi %add3A_28, %add3A_31 : i32
      %swap3A_33 = arith.index_cast %add3A_32 : i32 to index
      %swap3A_34 = tpu.vector_load %arg4[%swap3A_33] {strides = array<i32>} : memref<2064xf32, #tpu.memory_space<vmem>>, vector<16xf32>,
      tpu.vector_store %arg4[%swap3A_33], %broadcast_in_dim3A_30 {strides = array<i32>} : memref<2064xf32, #tpu.memory_space<vmem>>, vector<16xf32>,
      %broadcast_in_dim3A_35 = arith.constant 0.000000e+00 : f32
      %broadcast_in_dim3A_36 = vector.broadcast %broadcast_in_dim3A_35 : f32 to vector<16xf32>
      %add3A_37 = arith.constant 16 : i32
      %add3A_38 = arith.addi %add3A_28, %add3A_37 : i32
      %swap3A_39 = arith.index_cast %add3A_38 : i32 to index
      %swap3A_40 = tpu.vector_load %arg4[%swap3A_39] {strides = array<i32>} : memref<2064xf32, #tpu.memory_space<vmem>>, vector<16xf32>,
      tpu.vector_store %arg4[%swap3A_39], %broadcast_in_dim3A_36 {strides = array<i32>} : memref<2064xf32, #tpu.memory_space<vmem>>, vector<16xf32>,
      %broadcast_in_dim3A_41 = arith.constant 0.000000e+00 : f32
      %broadcast_in_dim3A_42 = vector.broadcast %broadcast_in_dim3A_41 : f32 to vector<16xf32>
      %add3A_43 = arith.constant 32 : i32
      %add3A_44 = arith.addi %add3A_28, %add3A_43 : i32
      %swap3A_45 = arith.index_cast %add3A_44 : i32 to index
      %swap3A_46 = tpu.vector_load %arg4[%swap3A_45] {strides = array<i32>} : memref<2064xf32, #tpu.memory_space<vmem>>, vector<16xf32>,
      tpu.vector_store %arg4[%swap3A_45], %broadcast_in_dim3A_42 {strides = array<i32>} : memref<2064xf32, #tpu.memory_space<vmem>>, vector<16xf32>,
      %broadcast_in_dim3A_47 = arith.constant 0.000000e+00 : f32
      %broadcast_in_dim3A_48 = vector.broadcast %broadcast_in_dim3A_47 : f32 to vector<16xf32>
      %add3A_49 = arith.constant 48 : i32
      %add3A_50 = arith.addi %add3A_28, %add3A_49 : i32
      %swap3A_51 = arith.index_cast %add3A_50 : i32 to index
      %swap3A_52 = tpu.vector_load %arg4[%swap3A_51] {strides = array<i32>} : memref<2064xf32, #tpu.memory_space<vmem>>, vector<16xf32>,
      tpu.vector_store %arg4[%swap3A_51], %broadcast_in_dim3A_48 {strides = array<i32>} : memref<2064xf32, #tpu.memory_space<vmem>>, vector<16xf32>,
      %broadcast_in_dim3A_53 = arith.constant 0.000000e+00 : f32
      %broadcast_in_dim3A_54 = vector.broadcast %broadcast_in_dim3A_53 : f32 to vector<16xf32>
      %add3A_55 = arith.constant 64 : i32
      %add3A_56 = arith.addi %add3A_28, %add3A_55 : i32
      %swap3A_57 = arith.index_cast %add3A_56 : i32 to index
      %swap3A_58 = tpu.vector_load %arg4[%swap3A_57] {strides = array<i32>} : memref<2064xf32, #tpu.memory_space<vmem>>, vector<16xf32>,
      tpu.vector_store %arg4[%swap3A_57], %broadcast_in_dim3A_54 {strides = array<i32>} : memref<2064xf32, #tpu.memory_space<vmem>>, vector<16xf32>,
      %broadcast_in_dim3A_59 = arith.constant 0.000000e+00 : f32
      %broadcast_in_dim3A_60 = vector.broadcast %broadcast_in_dim3A_59 : f32 to vector<16xf32>
      %add3A_61 = arith.constant 80 : i32
      %add3A_62 = arith.addi %add3A_28, %add3A_61 : i32
      %swap3A_63 = arith.index_cast %add3A_62 : i32 to index
      %swap3A_64 = tpu.vector_load %arg4[%swap3A_63] {strides = array<i32>} : memref<2064xf32, #tpu.memory_space<vmem>>, vector<16xf32>,
      tpu.vector_store %arg4[%swap3A_63], %broadcast_in_dim3A_60 {strides = array<i32>} : memref<2064xf32, #tpu.memory_space<vmem>>, vector<16xf32>,
      %broadcast_in_dim3A_65 = arith.constant 0.000000e+00 : f32
      %broadcast_in_dim3A_66 = vector.broadcast %broadcast_in_dim3A_65 : f32 to vector<16xf32>
      %add3A_67 = arith.constant 96 : i32
      %add3A_68 = arith.addi %add3A_28, %add3A_67 : i32
      %swap3A_69 = arith.index_cast %add3A_68 : i32 to index
      %swap3A_70 = tpu.vector_load %arg4[%swap3A_69] {strides = array<i32>} : memref<2064xf32, #tpu.memory_space<vmem>>, vector<16xf32>,
      tpu.vector_store %arg4[%swap3A_69], %broadcast_in_dim3A_66 {strides = array<i32>} : memref<2064xf32, #tpu.memory_space<vmem>>, vector<16xf32>,
      %broadcast_in_dim3A_71 = arith.constant 0.000000e+00 : f32
      %broadcast_in_dim3A_72 = vector.broadcast %broadcast_in_dim3A_71 : f32 to vector<16xf32>
      %add3A_73 = arith.constant 112 : i32
      %add3A_74 = arith.addi %add3A_28, %add3A_73 : i32
      %swap3A_75 = arith.index_cast %add3A_74 : i32 to index
      %swap3A_76 = tpu.vector_load %arg4[%swap3A_75] {strides = array<i32>} : memref<2064xf32, #tpu.memory_space<vmem>>, vector<16xf32>,
      tpu.vector_store %arg4[%swap3A_75], %broadcast_in_dim3A_72 {strides = array<i32>} : memref<2064xf32, #tpu.memory_space<vmem>>, vector<16xf32>,
    }
    %scan3A_4 = arith.constant 17 : i32
    %broadcast_in_dim3A = arith.constant 1.000000e+00 : f32
    %broadcast_in_dim3A_5 = vector.broadcast %broadcast_in_dim3A : f32 to vector<16xf32>
    %mul3A_6 = arith.constant 1 : i32
    %mul3A_7 = arith.muli %arg1, %mul3A_6 : i32
    %add3A_8 = arith.constant 0 : i32
    %add3A_9 = arith.addi %add3A_8, %mul3A_7 : i32
    %mul3A_10 = arith.constant 16 : i32
    %mul3A_11 = arith.muli %arg0, %mul3A_10 : i32
    %add3A_12 = arith.addi %add3A_9, %mul3A_11 : i32
    %mul3A_13 = arith.constant 64 : i32
    %mul3A_14 = arith.muli %add3A_12, %mul3A_13 : i32
    "tpu.region"() ({
      %run_scoped3A = memref.alloca() : memref<32768xf32, #tpu.memory_space<vmem>>
      %run_scoped3A_24 = tpu.sem_alloc : memref<2x!tpu.dma_semaphore, #tpu.memory_space<semaphore_mem>>
      %add3A_25 = arith.constant 0 : i32
      %add3A_26 = arith.addi %add3A_25, %mul3A_14 : i32
      %select_n3A = arith.constant true
      %select_n3A_27 = arith.constant 0 : i32
      %select_n3A_28 = arith.constant -1 : i32
      %select_n3A_29 = arith.select %select_n3A, %select_n3A_28, %select_n3A_27 : i32
      %eq3A = arith.constant -1 : i32
      %eq3A_30 = arith.cmpi eq, %select_n3A_29, %eq3A : i32
      %select_n3A_31 = arith.constant 63 : i32
      %select_n3A_32 = arith.select %eq3A_30, %select_n3A_31, %select_n3A_29 : i32
      %add3A_33 = arith.addi %select_n3A_32, %mul3A_14 : i32
      %select_n3A_34 = arith.constant true
      %select_n3A_35 = arith.constant 0 : i32
      %select_n3A_36 = arith.constant 1 : i32
      %select_n3A_37 = arith.select %select_n3A_34, %select_n3A_36, %select_n3A_35 : i32
      %eq3A_38 = arith.constant 64 : i32
      %eq3A_39 = arith.cmpi eq, %select_n3A_37, %eq3A_38 : i32
      %select_n3A_40 = arith.constant 0 : i32
      %select_n3A_41 = arith.select %eq3A_39, %select_n3A_40, %select_n3A_37 : i32
      %add3A_42 = arith.addi %select_n3A_41, %mul3A_14 : i32
      %add3A_43 = arith.constant 1 : i32
      %add3A_44 = arith.addi %select_n3A_41, %add3A_43 : i32
      %select_n3A_45 = arith.constant true
      %select_n3A_46 = arith.select %select_n3A_45, %add3A_44, %select_n3A_41 : i32
      %eq3A_47 = arith.constant 64 : i32
      %eq3A_48 = arith.cmpi eq, %select_n3A_46, %eq3A_47 : i32
      %select_n3A_49 = arith.constant 0 : i32
      %select_n3A_50 = arith.select %eq3A_48, %select_n3A_49, %select_n3A_46 : i32
      %add3A_51 = arith.addi %select_n3A_50, %mul3A_14 : i32
      %rem3A = arith.constant 0 : i32
      %rem3A_52 = arith.constant 2 : i32
      %rem3A_53 = arith.remui %rem3A, %rem3A_52 : i32
      %mul3A_54 = arith.constant 16384 : i32
      %mul3A_55 = arith.muli %mul3A_54, %add3A_26 : i32
      %mul3A_56 = arith.constant 16384 : i32
      %mul3A_57 = arith.muli %rem3A_53, %mul3A_56 : i32
      %add3A_58 = arith.constant 0 : i32
      %add3A_59 = arith.addi %mul3A_57, %add3A_58 : i32
      %dma_start3A = tpu.memref_slice %run_scoped3A[%add3A_59] : memref<32768xf32, #tpu.memory_space<vmem>> -> memref<16384xf32, #tpu.memory_space<vmem>>
      %dma_start3A_60 = tpu.memref_slice %arg2[%mul3A_55] : memref<33554432xf32, #tpu.memory_space<hbm>> -> memref<16384xf32, #tpu.memory_space<hbm>>
      %dma_start3A_61 = tpu.memref_slice %run_scoped3A_24[%rem3A_53] : memref<2x!tpu.dma_semaphore, #tpu.memory_space<semaphore_mem>> -> memref<1x!tpu.dma_semaphore, #tpu.memory_space<semaphore_mem>>
      %dma_start3A_62 = tpu.memref_squeeze %dma_start3A_61 : memref<1x!tpu.dma_semaphore, #tpu.memory_space<semaphore_mem>> -> memref<!tpu.dma_semaphore, #tpu.memory_space<semaphore_mem>>
      %dma_start3A_63 = tpu.memref_slice %run_scoped3A[%add3A_59] : memref<32768xf32, #tpu.memory_space<vmem>> -> memref<16384xf32, #tpu.memory_space<vmem>>
      %dma_start3A_64 = tpu.memref_slice %arg2[%mul3A_55] : memref<33554432xf32, #tpu.memory_space<hbm>> -> memref<16384xf32, #tpu.memory_space<hbm>>
      tpu.enqueue_dma source(%dma_start3A_64 : memref<16384xf32, #tpu.memory_space<hbm>>) target(%dma_start3A_63 : memref<16384xf32, #tpu.memory_space<vmem>>) target_semaphore(%dma_start3A_62 : memref<!tpu.dma_semaphore, #tpu.memory_space<semaphore_mem>>)
      %add3A_65 = arith.constant 0 : i32
      %add3A_66 = arith.constant 1 : i32
      %add3A_67 = arith.addi %add3A_65, %add3A_66 : i32
      %select_n3A_68 = arith.constant true
      %select_n3A_69 = arith.constant 0 : i32
      %select_n3A_70 = arith.select %select_n3A_68, %add3A_67, %select_n3A_69 : i32
      %scan3A_71 = arith.constant 0 : i32
      %scan3A_72 = arith.constant 0 : i32
      %scan3A_73 = arith.constant 0 : i32
      %scan3A_74 = arith.constant 64 : i32
      %scan3A_75 = arith.addi %scan3A_73, %scan3A_74 : i32
      %scan3A_76 = arith.constant 1 : i32
      %scan3A_77:3 = scf.for %scan3A_114 = %scan3A_73 to %scan3A_75 step %scan3A_76 iter_args(%scan3A_115 = %select_n3A_70, %scan3A_116 = %scan3A_71, %scan3A_117 = %scan3A_72) -> (i32, i32, i32)  : i32 {
        %eq3A_118 = arith.constant 0 : i32
        %eq3A_119 = arith.cmpi eq, %scan3A_114, %eq3A_118 : i32
        %eq3A_120 = arith.constant 63 : i32
        %eq3A_121 = arith.cmpi eq, %scan3A_114, %eq3A_120 : i32
        %add3A_122 = arith.addi %scan3A_117, %mul3A_14 : i32
        %sub3A_123 = arith.constant 1 : i32
        %sub3A_124 = arith.subi %scan3A_117, %sub3A_123 : i32
        %select_n3A_125 = arith.constant true
        %select_n3A_126 = arith.select %select_n3A_125, %sub3A_124, %scan3A_117 : i32
        %eq3A_127 = arith.constant -1 : i32
        %eq3A_128 = arith.cmpi eq, %select_n3A_126, %eq3A_127 : i32
        %select_n3A_129 = arith.constant 63 : i32
        %select_n3A_130 = arith.select %eq3A_128, %select_n3A_129, %select_n3A_126 : i32
        %add3A_131 = arith.addi %select_n3A_130, %mul3A_14 : i32
        %add3A_132 = arith.constant 1 : i32
        %add3A_133 = arith.addi %scan3A_117, %add3A_132 : i32
        %select_n3A_134 = arith.constant true
        %select_n3A_135 = arith.select %select_n3A_134, %add3A_133, %scan3A_117 : i32
        %eq3A_136 = arith.constant 64 : i32
        %eq3A_137 = arith.cmpi eq, %select_n3A_135, %eq3A_136 : i32
        %select_n3A_138 = arith.constant 0 : i32
        %select_n3A_139 = arith.select %eq3A_137, %select_n3A_138, %select_n3A_135 : i32
        %add3A_140 = arith.addi %select_n3A_139, %mul3A_14 : i32
        %add3A_141 = arith.constant 1 : i32
        %add3A_142 = arith.addi %select_n3A_139, %add3A_141 : i32
        %select_n3A_143 = arith.constant true
        %select_n3A_144 = arith.select %select_n3A_143, %add3A_142, %select_n3A_139 : i32
        %eq3A_145 = arith.constant 64 : i32
        %eq3A_146 = arith.cmpi eq, %select_n3A_144, %eq3A_145 : i32
        %select_n3A_147 = arith.constant 0 : i32
        %select_n3A_148 = arith.select %eq3A_146, %select_n3A_147, %select_n3A_144 : i32
        %add3A_149 = arith.addi %select_n3A_148, %mul3A_14 : i32
        %ne3A = arith.cmpi ne, %add3A_122, %add3A_140 : i32
        %or3A = arith.constant false
        %or3A_150 = arith.ori %or3A, %ne3A : i1
        %ge3A = arith.constant 63 : i32
        %ge3A_151 = arith.cmpi sge, %scan3A_114, %ge3A : i32
        %not3A = arith.constant true
        %not3A_152 = arith.xori %ge3A_151, %not3A : i1
        %and3A = arith.andi %or3A_150, %not3A_152 : i1
        %convert_element_type3A = arith.extui %and3A : i1 to i32
        %cond3A = arith.constant 0 : i32
        %cond3A_153 = arith.cmpi ne, %convert_element_type3A, %cond3A : i32
        scf.if %cond3A_153 {
          %rem3A_207 = arith.constant 2 : i32
          %rem3A_208 = arith.remui %scan3A_115, %rem3A_207 : i32
          %mul3A_209 = arith.constant 16384 : i32
          %mul3A_210 = arith.muli %mul3A_209, %add3A_140 : i32
          %mul3A_211 = arith.constant 16384 : i32
          %mul3A_212 = arith.muli %rem3A_208, %mul3A_211 : i32
          %add3A_213 = arith.constant 0 : i32
          %add3A_214 = arith.addi %mul3A_212, %add3A_213 : i32
          %dma_start3A_215 = tpu.memref_slice %run_scoped3A[%add3A_214] : memref<32768xf32, #tpu.memory_space<vmem>> -> memref<16384xf32, #tpu.memory_space<vmem>>
          %dma_start3A_216 = tpu.memref_slice %arg2[%mul3A_210] : memref<33554432xf32, #tpu.memory_space<hbm>> -> memref<16384xf32, #tpu.memory_space<hbm>>
          %dma_start3A_217 = tpu.memref_slice %run_scoped3A_24[%rem3A_208] : memref<2x!tpu.dma_semaphore, #tpu.memory_space<semaphore_mem>> -> memref<1x!tpu.dma_semaphore, #tpu.memory_space<semaphore_mem>>
          %dma_start3A_218 = tpu.memref_squeeze %dma_start3A_217 : memref<1x!tpu.dma_semaphore, #tpu.memory_space<semaphore_mem>> -> memref<!tpu.dma_semaphore, #tpu.memory_space<semaphore_mem>>
          %dma_start3A_219 = tpu.memref_slice %run_scoped3A[%add3A_214] : memref<32768xf32, #tpu.memory_space<vmem>> -> memref<16384xf32, #tpu.memory_space<vmem>>
          %dma_start3A_220 = tpu.memref_slice %arg2[%mul3A_210] : memref<33554432xf32, #tpu.memory_space<hbm>> -> memref<16384xf32, #tpu.memory_space<hbm>>
          tpu.enqueue_dma source(%dma_start3A_220 : memref<16384xf32, #tpu.memory_space<hbm>>) target(%dma_start3A_219 : memref<16384xf32, #tpu.memory_space<vmem>>) target_semaphore(%dma_start3A_218 : memref<!tpu.dma_semaphore, #tpu.memory_space<semaphore_mem>>)
        } else {
        }
        %and3A_154 = arith.constant true
        %and3A_155 = arith.andi %and3A, %and3A_154 : i1
        %add3A_156 = arith.constant 1 : i32
        %add3A_157 = arith.addi %scan3A_115, %add3A_156 : i32
        %select_n3A_158 = arith.select %and3A_155, %add3A_157, %scan3A_115 : i32
        %ne3A_159 = arith.cmpi ne, %add3A_122, %add3A_131 : i32
        %or3A_160 = arith.constant false
        %or3A_161 = arith.ori %or3A_160, %ne3A_159 : i1
        %or3A_162 = arith.ori %or3A_161, %eq3A_119 : i1
        %convert_element_type3A_163 = arith.extui %or3A_162 : i1 to i32
        %cond3A_164 = arith.constant 0 : i32
        %cond3A_165 = arith.cmpi ne, %convert_element_type3A_163, %cond3A_164 : i32
        scf.if %cond3A_165 {
          %mul3A_207 = arith.constant 16384 : i32
          %mul3A_208 = arith.muli %mul3A_207, %add3A_122 : i32
          %rem3A_209 = arith.constant 2 : i32
          %rem3A_210 = arith.remui %scan3A_116, %rem3A_209 : i32
          %mul3A_211 = arith.constant 16384 : i32
          %mul3A_212 = arith.muli %rem3A_210, %mul3A_211 : i32
          %add3A_213 = arith.constant 0 : i32
          %add3A_214 = arith.addi %mul3A_212, %add3A_213 : i32
          %dma_wait3A = tpu.memref_slice %run_scoped3A[%add3A_214] : memref<32768xf32, #tpu.memory_space<vmem>> -> memref<16384xf32, #tpu.memory_space<vmem>>
          %dma_wait3A_215 = tpu.memref_slice %arg2[%mul3A_208] : memref<33554432xf32, #tpu.memory_space<hbm>> -> memref<16384xf32, #tpu.memory_space<hbm>>
          %dma_wait3A_216 = tpu.memref_slice %run_scoped3A_24[%rem3A_210] : memref<2x!tpu.dma_semaphore, #tpu.memory_space<semaphore_mem>> -> memref<1x!tpu.dma_semaphore, #tpu.memory_space<semaphore_mem>>
          %dma_wait3A_217 = tpu.memref_squeeze %dma_wait3A_216 : memref<1x!tpu.dma_semaphore, #tpu.memory_space<semaphore_mem>> -> memref<!tpu.dma_semaphore, #tpu.memory_space<semaphore_mem>>
          %dma_wait3A_218 = tpu.memref_slice %run_scoped3A[%add3A_214] : memref<32768xf32, #tpu.memory_space<vmem>> -> memref<16384xf32, #tpu.memory_space<vmem>>
          %dma_wait3A_219 = tpu.memref_slice %arg2[%mul3A_208] : memref<33554432xf32, #tpu.memory_space<hbm>> -> memref<16384xf32, #tpu.memory_space<hbm>>
          tpu.wait_dma2 semaphore(%dma_wait3A_217 : memref<!tpu.dma_semaphore, #tpu.memory_space<semaphore_mem>>) src(%dma_wait3A_219 : memref<16384xf32, #tpu.memory_space<hbm>>) dst(%dma_wait3A_218 : memref<16384xf32, #tpu.memory_space<vmem>>)
        } else {
        }
        %rem3A_166 = arith.constant 2 : i32
        %rem3A_167 = arith.remui %scan3A_116, %rem3A_166 : i32
        %mul3A_168 = arith.constant 16384 : i32
        %mul3A_169 = arith.muli %rem3A_167, %mul3A_168 : i32
        %parallel_loop3A = arith.constant 0 : i32
        %parallel_loop3A_170 = arith.constant 16384 : i32
        %parallel_loop3A_171 = arith.constant 16 : i32
        scf.for %parallel_loop3A_207 = %parallel_loop3A to %parallel_loop3A_170 step %parallel_loop3A_171  : i32 {
          %parallel_loop3A_208 = tpu.memref_slice %run_scoped3A[%mul3A_169] : memref<32768xf32, #tpu.memory_space<vmem>> -> memref<16384xf32, #tpu.memory_space<vmem>>
          %parallel_loop3A_209 = arith.index_cast %parallel_loop3A_207 : i32 to index
          %parallel_loop3A_210 = tpu.vector_load %parallel_loop3A_208[%parallel_loop3A_209] {strides = array<i32>} : memref<16384xf32, #tpu.memory_space<vmem>>, vector<16xf32>,
          %parallel_loop3A_211 = arith.constant -4.000000e+00 : f32
          %parallel_loop3A_212 = vector.broadcast %parallel_loop3A_211 : f32 to vector<16xf32>
          %parallel_loop3A_213 = arith.subf %parallel_loop3A_210, %parallel_loop3A_212 : vector<16xf32>
          %parallel_loop3A_214 = arith.constant 2.560000e+02 : f32
          %parallel_loop3A_215 = vector.broadcast %parallel_loop3A_214 : f32 to vector<16xf32>
          %parallel_loop3A_216 = arith.mulf %parallel_loop3A_213, %parallel_loop3A_215 : vector<16xf32>
          %parallel_loop3A_217 = arith.fptosi %parallel_loop3A_216 : vector<16xf32> to vector<16xi32>
          %parallel_loop3A_218 = math.absf %parallel_loop3A_210 : vector<16xf32>
          %parallel_loop3A_219 = arith.constant 4.000000e+00 : f32
          %parallel_loop3A_220 = vector.broadcast %parallel_loop3A_219 : f32 to vector<16xf32>
          %parallel_loop3A_221 = arith.cmpf ole, %parallel_loop3A_218, %parallel_loop3A_220 : vector<16xf32>
          tpu.vector_store_idx %arg4[%parallel_loop3A_217], %broadcast_in_dim3A_5 masked %parallel_loop3A_221 {add = true} : memref<2064xf32, #tpu.memory_space<vmem>>[vector<16xi32>], vector<16xf32>, vector<16xi1>
        } {sc.loop_unroll_factor = 8 : i64, sc.parallel_access}
        %ne3A_172 = arith.cmpi ne, %add3A_122, %add3A_140 : i32
        %or3A_173 = arith.constant false
        %or3A_174 = arith.ori %or3A_173, %ne3A_172 : i1
        %or3A_175 = arith.ori %or3A_174, %eq3A_121 : i1
        %convert_element_type3A_176 = arith.extui %or3A_175 : i1 to i32
        %cond3A_177 = arith.constant 0 : i32
        %cond3A_178 = arith.cmpi ne, %convert_element_type3A_176, %cond3A_177 : i32
        scf.if %cond3A_178 {
        } else {
        }
        %and3A_179 = arith.constant false
        %and3A_180 = arith.andi %or3A_175, %and3A_179 : i1
        %ne3A_181 = arith.cmpi ne, %add3A_122, %add3A_131 : i32
        %or3A_182 = arith.constant false
        %or3A_183 = arith.ori %or3A_182, %ne3A_181 : i1
        %not3A_184 = arith.constant true
        %not3A_185 = arith.xori %eq3A_119, %not3A_184 : i1
        %and3A_186 = arith.andi %or3A_183, %not3A_185 : i1
        %convert_element_type3A_187 = arith.extui %and3A_186 : i1 to i32
        %cond3A_188 = arith.constant 0 : i32
        %cond3A_189 = arith.cmpi ne, %convert_element_type3A_187, %cond3A_188 : i32
        scf.if %cond3A_189 {
        } else {
        }
        %and3A_190 = arith.constant false
        %and3A_191 = arith.andi %and3A_186, %and3A_190 : i1
        %ne3A_192 = arith.cmpi ne, %add3A_122, %add3A_140 : i32
        %or3A_193 = arith.constant false
        %or3A_194 = arith.ori %or3A_193, %ne3A_192 : i1
        %or3A_195 = arith.ori %or3A_194, %eq3A_121 : i1
        %add3A_196 = arith.constant 1 : i32
        %add3A_197 = arith.addi %scan3A_116, %add3A_196 : i32
        %select_n3A_198 = arith.select %or3A_195, %add3A_197, %scan3A_116 : i32
        %add3A_199 = arith.constant 1 : i32
        %add3A_200 = arith.addi %scan3A_117, %add3A_199 : i32
        %select_n3A_201 = arith.constant true
        %select_n3A_202 = arith.select %select_n3A_201, %add3A_200, %scan3A_117 : i32
        %eq3A_203 = arith.constant 64 : i32
        %eq3A_204 = arith.cmpi eq, %select_n3A_202, %eq3A_203 : i32
        %select_n3A_205 = arith.constant 0 : i32
        %select_n3A_206 = arith.select %eq3A_204, %select_n3A_205, %select_n3A_202 : i32
        scf.yield %select_n3A_158, %select_n3A_198, %select_n3A_206 : i32, i32, i32
      }
      %scan3A_78 = arith.constant 64 : i32
      %sub3A = arith.constant 1 : i32
      %sub3A_79 = arith.subi %scan3A_77#2, %sub3A : i32
      %select_n3A_80 = arith.constant true
      %select_n3A_81 = arith.select %select_n3A_80, %sub3A_79, %scan3A_77#2 : i32
      %eq3A_82 = arith.constant -1 : i32
      %eq3A_83 = arith.cmpi eq, %select_n3A_81, %eq3A_82 : i32
      %select_n3A_84 = arith.constant 63 : i32
      %select_n3A_85 = arith.select %eq3A_83, %select_n3A_84, %select_n3A_81 : i32
      %add3A_86 = arith.addi %select_n3A_85, %mul3A_14 : i32
      %sub3A_87 = arith.constant 1 : i32
      %sub3A_88 = arith.subi %select_n3A_85, %sub3A_87 : i32
      %select_n3A_89 = arith.constant true
      %select_n3A_90 = arith.select %select_n3A_89, %sub3A_88, %select_n3A_85 : i32
      %eq3A_91 = arith.constant -1 : i32
      %eq3A_92 = arith.cmpi eq, %select_n3A_90, %eq3A_91 : i32
      %select_n3A_93 = arith.constant 63 : i32
      %select_n3A_94 = arith.select %eq3A_92, %select_n3A_93, %select_n3A_90 : i32
      %add3A_95 = arith.addi %select_n3A_94, %mul3A_14 : i32
      %add3A_96 = arith.constant 1 : i32
      %add3A_97 = arith.addi %select_n3A_85, %add3A_96 : i32
      %select_n3A_98 = arith.constant true
      %select_n3A_99 = arith.select %select_n3A_98, %add3A_97, %select_n3A_85 : i32
      %eq3A_100 = arith.constant 64 : i32
      %eq3A_101 = arith.cmpi eq, %select_n3A_99, %eq3A_100 : i32
      %select_n3A_102 = arith.constant 0 : i32
      %select_n3A_103 = arith.select %eq3A_101, %select_n3A_102, %select_n3A_99 : i32
      %add3A_104 = arith.addi %select_n3A_103, %mul3A_14 : i32
      %add3A_105 = arith.constant 1 : i32
      %add3A_106 = arith.addi %select_n3A_103, %add3A_105 : i32
      %select_n3A_107 = arith.constant true
      %select_n3A_108 = arith.select %select_n3A_107, %add3A_106, %select_n3A_103 : i32
      %eq3A_109 = arith.constant 64 : i32
      %eq3A_110 = arith.cmpi eq, %select_n3A_108, %eq3A_109 : i32
      %select_n3A_111 = arith.constant 0 : i32
      %select_n3A_112 = arith.select %eq3A_110, %select_n3A_111, %select_n3A_108 : i32
      %add3A_113 = arith.addi %select_n3A_112, %mul3A_14 : i32
      tpu.yield
    }) : () -> ()
    %get3A = arith.constant 2032 : index
    %get3A_15 = tpu.vector_load %arg4[%get3A] {strides = array<i32>} : memref<2064xf32, #tpu.memory_space<vmem>>, vector<16xf32>,
    %get3A_16 = arith.constant 2048 : index
    %get3A_17 = tpu.vector_load %arg4[%get3A_16] {strides = array<i32>} : memref<2064xf32, #tpu.memory_space<vmem>>, vector<16xf32>,
    %rev3A = arith.constant 15 : i32
    %rev3A_18 = vector.broadcast %rev3A : i32 to vector<16xi32>
    %rev3A_19 = tpu.iota {dimensions = array<i32: 0>} : vector<16xi32>
    %rev3A_20 = arith.subi %rev3A_18, %rev3A_19 : vector<16xi32>
    %rev3A_21 = tpu.dynamic_gather %get3A_17[%rev3A_20] in [0] : vector<16xf32>, vector<16xi32> -> vector<16xf32>
    %add3A_22 = arith.addf %get3A_15, %rev3A_21 : vector<16xf32>
    %swap3A = arith.constant 2032 : index
    %swap3A_23 = tpu.vector_load %arg4[%swap3A] {strides = array<i32>} : memref<2064xf32, #tpu.memory_space<vmem>>, vector<16xf32>,
    tpu.vector_store %arg4[%swap3A], %add3A_22 {strides = array<i32>} : memref<2064xf32, #tpu.memory_space<vmem>>, vector<16xf32>,
    "tpu.region"() ({
      %run_scoped3A = tpu.sem_alloc : memref<!tpu.dma_semaphore, #tpu.memory_space<semaphore_mem>>
      %dma_start3A = arith.constant 0 : i32
      %dma_start3A_24 = tpu.memref_slice %arg4[%dma_start3A] : memref<2064xf32, #tpu.memory_space<vmem>> -> memref<2048xf32, #tpu.memory_space<vmem>>
      %dma_start3A_25 = arith.constant 0 : i32
      %dma_start3A_26 = tpu.memref_slice %arg3[%add3A, %dma_start3A_25] : memref<32x2048xf32, #tpu.memory_space<hbm>> -> memref<1x2048xf32, #tpu.memory_space<hbm>>
      %dma_start3A_27 = tpu.memref_squeeze %dma_start3A_26 : memref<1x2048xf32, #tpu.memory_space<hbm>> -> memref<2048xf32, #tpu.memory_space<hbm>>
      %dma_start3A_28 = arith.constant 0 : i32
      %dma_start3A_29 = tpu.memref_slice %arg3[%add3A, %dma_start3A_28] : memref<32x2048xf32, #tpu.memory_space<hbm>> -> memref<1x2048xf32, #tpu.memory_space<hbm>>
      %dma_start3A_30 = tpu.memref_squeeze %dma_start3A_29 : memref<1x2048xf32, #tpu.memory_space<hbm>> -> memref<2048xf32, #tpu.memory_space<hbm>>
      %dma_start3A_31 = arith.constant 0 : i32
      %dma_start3A_32 = tpu.memref_slice %arg4[%dma_start3A_31] : memref<2064xf32, #tpu.memory_space<vmem>> -> memref<2048xf32, #tpu.memory_space<vmem>>
      tpu.enqueue_dma source(%dma_start3A_32 : memref<2048xf32, #tpu.memory_space<vmem>>) target(%dma_start3A_30 : memref<2048xf32, #tpu.memory_space<hbm>>) target_semaphore(%run_scoped3A : memref<!tpu.dma_semaphore, #tpu.memory_space<semaphore_mem>>)
      %dma_wait3A = arith.constant 0 : i32
      %dma_wait3A_33 = tpu.memref_slice %arg4[%dma_wait3A] : memref<2064xf32, #tpu.memory_space<vmem>> -> memref<2048xf32, #tpu.memory_space<vmem>>
      %dma_wait3A_34 = arith.constant 0 : i32
      %dma_wait3A_35 = tpu.memref_slice %arg3[%add3A, %dma_wait3A_34] : memref<32x2048xf32, #tpu.memory_space<hbm>> -> memref<1x2048xf32, #tpu.memory_space<hbm>>
      %dma_wait3A_36 = tpu.memref_squeeze %dma_wait3A_35 : memref<1x2048xf32, #tpu.memory_space<hbm>> -> memref<2048xf32, #tpu.memory_space<hbm>>
      %dma_wait3A_37 = arith.constant 0 : i32
      %dma_wait3A_38 = tpu.memref_slice %arg3[%add3A, %dma_wait3A_37] : memref<32x2048xf32, #tpu.memory_space<hbm>> -> memref<1x2048xf32, #tpu.memory_space<hbm>>
      %dma_wait3A_39 = tpu.memref_squeeze %dma_wait3A_38 : memref<1x2048xf32, #tpu.memory_space<hbm>> -> memref<2048xf32, #tpu.memory_space<hbm>>
      %dma_wait3A_40 = arith.constant 0 : i32
      %dma_wait3A_41 = tpu.memref_slice %arg4[%dma_wait3A_40] : memref<2064xf32, #tpu.memory_space<vmem>> -> memref<2048xf32, #tpu.memory_space<vmem>>
      tpu.wait_dma2 semaphore(%run_scoped3A : memref<!tpu.dma_semaphore, #tpu.memory_space<semaphore_mem>>) src(%dma_wait3A_41 : memref<2048xf32, #tpu.memory_space<vmem>>) dst(%dma_wait3A_39 : memref<2048xf32, #tpu.memory_space<hbm>>)
      tpu.yield
    }) : () -> ()
    return
  }
}

module attributes {stable_mosaic.version = 14 : i64} {
  func.func @body(%arg0: memref<32x2048xf32, #tpu.memory_space<vmem>>, %arg1: memref<1x2048xf32, #tpu.memory_space<vmem>>) attributes {dimension_semantics = [], scalar_prefetch = 0 : i64, scratch_operands = 0 : i64, tpu.core_type = #tpu.core_type<tc>} {
    %get3A = arith.constant 0 : index
    %get3A_0 = arith.constant 0 : index
    %get3A_1 = vector.load %arg0[%get3A, %get3A_0] : memref<32x2048xf32, #tpu.memory_space<vmem>>, vector<32x2048xf32>
    %reduce_sum3A = arith.constant dense<0.000000e+00> : vector<2048xf32>
    %reduce_sum3A_2 = vector.multi_reduction <add>, %get3A_1, %reduce_sum3A [0] : vector<32x2048xf32> to vector<2048xf32>
    %broadcast_in_dim3A = vector.shape_cast %reduce_sum3A_2 : vector<2048xf32> to vector<1x2048xf32>
    %swap3A = arith.constant 0 : index
    %swap3A_3 = arith.constant 0 : index
    %swap3A_4 = vector.load %arg1[%swap3A, %swap3A_3] : memref<1x2048xf32, #tpu.memory_space<vmem>>, vector<1x2048xf32>
    tpu.vector_store %arg1[%swap3A, %swap3A_3], %broadcast_in_dim3A {strides = array<i32>} : memref<1x2048xf32, #tpu.memory_space<vmem>>, vector<1x2048xf32>,
    return
  }
}

</mosaic_0001>

<sc_bundles>
// kernel: kernel.4.cloned.1.call-start
scs
__scs_entry_jumppad:
0x0: {  	(pc) =	sbr.rel $0x88, $3  }
0x1: {  	(tag) =	ssettag $0x0;
	lr =	simm.s32 $0x1  }
0x2: {  	[smem:$0x3FA0] =	sst lr;
	_ =	strace $0xD0000000  }
0x3: {  	_ = 	snop  }
0x4: {  	_ = 	snop  }
0x5: {  	_ = 	snop  }
0x6: {  	_ = 	snop  }
0x7: {  	_ = 	snop  }
__scs_overlays_trampoline_lowered:
0x8: {  	[smem:$0x3FAF] =	sst s0  }
0x9: {  	[smem:$0x3FB0] =	sst s1  }
0xa: {  	[smem:$0x3FB1] =	sst s2  }
0xb: {  	[smem:$0x3FB2] =	sst s3  }
0xc: {  	[smem:$0x3FB3] =	sst s4  }
0xd: {  	[smem:$0x3FB4] =	sst s5  }
0xe: {  	[smem:$0x3FB5] =	sst s6  }
0xf: {  	[smem:$0x3FB6] =	sst s7  }
0x10: {  	[smem:$0x3FB7] =	sst s8  }
0x11: {  	[smem:$0x3FB8] =	sst s9;
	s0 =	simm.s32 @!p0 $0x0  }
0x12: {  	s1 =	sld [smem:$0x3F9E];
	s0 =	simm.s32 @p0 $0x1  }
0x13: {  	[smem:$0x3FB9] =	sst s0;
	s0 =	simm.s32 @!p1 $0x0  }
0x14: {  	s2 =	sld [smem:$0x3F9D];
	s0 =	simm.s32 @p1 $0x1  }
0x15: {  	[smem:$0x3FBA] =	sst s0;
	s0 =	simm.s32 @!p2 $0x0  }
0x16: {  	s3 =	sld [smem:$0x3FDB];
	s0 =	simm.s32 @p2 $0x1  }
0x17: {  	s4 =	simm.s32 $0x1BF5;
	[smem:$0x3FBC] =	sst s0  }
0x18: {  	s0 =	sld [smem:$0x3F9F];
	_ =	swait.ge [sflag:s4], $0x0  }
0x19: {  	s7 =	sld [smem:$0x3FA0]  }
0x1a: {  	s8 =	sadd.s32 $0xFFFFE003, lr  }
0x1b: {  	s9 =	sadd.s32 $0xFFFFFEF7, lr;
	s5 =	simm.s32 $0xFFFFFFFF;
	p2 =	slt.u32 s8, $0xFFFFF086  }
0x1c: {  	p1 =	slt.u32 s9, $0xF7A;
	s5 =	simm.s32 @!p2 $0x0  }
0x1d: {  	s5 =	simm.s32 @p1 $0x1;
	p0 =	seq.s32 s7, s2  }
0x1e: {  	s7 =	smul.u32 @!p0 $0xF7A, s2;
	p2 =	seq.s32 @!p0 s5, $0x0  }
0x1f: {  	s9 =	smul.u32 $0xF7A, s1;
	s8 =	simm.s32 @!p0 $0x1BF5;
	p2 =	por !p2, p0  }
0x20: {  	[sflag:s8] =	ssyncset.s32 @!p0 $0xFFFFF086;
	s6 =	sadd.s32 @!p0 s3, s7;
	s7 =	simm.s32 @!p0 $0x108  }
0x21: {  	s3 =	sadd.s32 s3, s9;
	s6 =	sadd.s32 @!p0 $0x88, s6;
	s7 =	simm.s32 @p2 $0x1082  }
0x22: {  	[simem:s7], [sflag:s8] =	dma.local @!p0 [hbm:s6], $0xF7A  }
0x23: {  	s9 =	sor.u32 $0xD0000000, s2;
	s6 =	simm.s32 $0x108;
	_ =	swait.ge @!p0 [sflag:s8], $0x0  }
0x24: {  	s3 =	sadd.s32 $0x88, s3;
	s6 =	simm.s32 @!p1 $0x1082;
	[sflag:s4] =	ssyncset.s32 $0xFFFFF086  }
0x25: {  	[simem:s6], [sflag:s4] =	dma.local [hbm:s3], $0xF7A  }
0x26: {  	[smem:$0x3FA0] =	sst s1;
	(tag) =	ssettag s2;
	_ =	strace s9  }
0x27: {  	s1 =	sld [smem:$0x3FB0]  }
0x28: {  	s2 =	sld [smem:$0x3FB1]  }
0x29: {  	s4 =	sld [smem:$0x3FB3]  }
0x2a: {  	p0 =	seq.s32 s5, $0x0;
	s5 =	sld [smem:$0x3FB4]  }
0x2b: {  	s6 =	sld [smem:$0x3FB5]  }
0x2c: {  	s7 =	sld [smem:$0x3FB6]  }
0x2d: {  	s3 =	simm.s32 $0x108;
	s8 =	sld [smem:$0x3FB7]  }
0x2e: {  	s3 =	simm.s32 @!p0 $0x1082;
	s9 =	sld [smem:$0x3FB8]  }
0x2f: {  	lr =	sadd.s32 s0, s3;
	s0 =	sld [smem:$0x3FAF]  }
0x30: {  	s3 =	sld [smem:$0x3FB2]  }
0x31: {  	[smem:$0x3FBB] =	sst s10  }
0x32: {  	s10 =	sld [smem:$0x3FB9];
	_ =	sdelay $0x3  }
0x33: {  	p0 =	seq.s32 s10, $0x1;
	s10 =	sld [smem:$0x3FBB];
	_ =	sdelay $0x3  }
0x34: {  	[smem:$0x3FBB] =	sst s10  }
0x35: {  	s10 =	sld [smem:$0x3FBA];
	_ =	sdelay $0x3  }
0x36: {  	p1 =	seq.s32 s10, $0x1;
	s10 =	sld [smem:$0x3FBB];
	_ =	sdelay $0x3  }
0x37: {  	[smem:$0x3FBB] =	sst s10  }
0x38: {  	s10 =	sld [smem:$0x3FBC]  }
0x39: {  	_ = 	snop;
	(pc) =	sbr.ind lr, $3  }
0x3a: {  	_ = 	snop  }
0x3b: {  	_ = 	snop  }
0x3c: {  	p2 =	seq.s32 s10, $0x1;
	s10 =	sld [smem:$0x3FBB]  }
0x3d: {  	_ =	shalt  }
0x3e: {  	_ =	shalt  }
0x3f: {  	_ =	shalt  }
0x40: {  	_ =	shalt  }
0x41: {  	_ =	shalt  }
0x42: {  	_ =	shalt  }
0x43: {  	_ =	shalt  }
0x44: {  	_ =	shalt  }
0x45: {  	_ =	shalt  }
0x46: {  	_ =	shalt  }
0x47: {  	_ =	shalt  }
0x48: {  	_ =	shalt  }
0x49: {  	_ =	shalt  }
0x4a: {  	_ =	shalt  }
0x4b: {  	_ =	shalt  }
0x4c: {  	_ =	shalt  }
0x4d: {  	_ =	shalt  }
0x4e: {  	_ =	shalt  }
0x4f: {  	_ =	shalt  }
0x50: {  	_ =	shalt  }
0x51: {  	_ =	shalt  }
0x52: {  	_ =	shalt  }
0x53: {  	_ =	shalt  }
0x54: {  	_ =	shalt  }
0x55: {  	_ =	shalt  }
0x56: {  	_ =	shalt  }
0x57: {  	_ =	shalt  }
0x58: {  	_ =	shalt  }
0x59: {  	_ =	shalt  }
0x5a: {  	_ =	shalt  }
0x5b: {  	_ =	shalt  }
0x5c: {  	_ =	shalt  }
0x5d: {  	_ =	shalt  }
0x5e: {  	_ =	shalt  }
0x5f: {  	_ =	shalt  }
0x60: {  	_ =	shalt  }
0x61: {  	_ =	shalt  }
0x62: {  	_ =	shalt  }
0x63: {  	_ =	shalt  }
0x64: {  	_ =	shalt  }
0x65: {  	_ =	shalt  }
0x66: {  	_ =	shalt  }
0x67: {  	_ =	shalt  }
0x68: {  	_ =	shalt  }
0x69: {  	_ =	shalt  }
0x6a: {  	_ =	shalt  }
0x6b: {  	_ =	shalt  }
0x6c: {  	_ =	shalt  }
0x6d: {  	_ =	shalt  }
0x6e: {  	_ =	shalt  }
0x6f: {  	_ =	shalt  }
0x70: {  	_ =	shalt  }
0x71: {  	_ =	shalt  }
0x72: {  	_ =	shalt  }
0x73: {  	_ =	shalt  }
0x74: {  	_ =	shalt  }
0x75: {  	_ =	shalt  }
0x76: {  	_ =	shalt  }
0x77: {  	_ =	shalt  }
0x78: {  	_ =	shalt  }
0x79: {  	_ =	shalt  }
0x7a: {  	_ =	shalt  }
0x7b: {  	_ =	shalt  }
0x7c: {  	_ =	shalt  }
0x7d: {  	_ =	shalt  }
0x7e: {  	_ =	shalt  }
0x7f: {  	_ =	shalt  }
0x80: {  	_ =	shalt  }
0x81: {  	_ =	shalt  }
0x82: {  	_ =	shalt  }
0x83: {  	_ =	shalt  }
0x84: {  	_ =	shalt  }
0x85: {  	_ =	shalt  }
0x86: {  	_ =	shalt  }
0x87: {  	_ =	shalt  }
.Lfunc_end0:
.L_simem_size_0:
called_computation_lowered:
.L_overlay_start_0:
0x88: {  	s2 =	sld [smem:$0x3FD9]  }
0x89: {  	s3 =	sld [smem:$0x3FFE];
	_ =	sdelay $0x1  }
0x8a: {  	s1 =	srdreg.scid  }
0x8b: {  	s0 =	sand.u32 $0x1, s1  }
0x8c: {  	s17 =	sshll.u32 s0, $0xA;
	s2 =	sadd.s32 s3, s2  }
0x8d: {  	s2 =	sadd.s32 s2, s17  }
0x8e: {  	[smem:$0x3FC7] =	sst s2  }
0x8f: {  	_ = 	snop  }
0x90: {  	s2 =	sld [smem:$0x3FC9];
	(tm) =	ssettm $0x1  }
0x91: {  	s18 =	sld [smem:$0x3FFB];
	_ =	sdelay $0x3  }
0x92: {  	_ =	strace s18  }
0x93: {  	s3 =	sld [smem:$0x3FFC];
	_ =	sdelay $0x3  }
0x94: {  	_ =	strace s3  }
0x95: {  	s3 =	sld [smem:$0x3FFD];
	_ =	sdelay $0x3  }
0x96: {  	_ =	strace s3  }
0x97: {  	_ =	strace $0x8FFFFFFF  }
0x98: {  	s19 =	sld [smem:$0x3FDB];
	_ =	sdelay $0x1  }
0x99: {  	s4 =	simm.s32 $_scs_section_size  }
0x9a: {  	s5 =	simm.s32 $_size__tile_overlayer_lowered;
	s6 =	simm.s32 $_tile_overlayer_lowered  }
0x9b: {  	s22 =	simm.s32 $0x1BFF;
	s21 =	sshll.u32 s6, $0x1;
	s3 =	sadd.s32 s4, s19  }
0x9c: {  	s7 =	simm.s32 $0x0;
	s20 =	sshll.u32 s5, $0x1;
	s5 =	sadd.s32 s21, s3  }
0x9d: {  	[timem:s7], [sflag:s22] =	dma.local [hbm:s5], s20  }
0x9e: {  	_ =	swait.ge [sflag:s22], s20  }
0x9f: {  	s4 =	ssub.s32 $0x0, s20;
	[sflag:s22] =	ssyncset.done $0x0  }
0xa0: {  	[sflag:s22] =	ssyncadd.s32 s4;
	_ =	sdelay $0x1  }
0xa1: {  	s23 =	simm.s32 $0x1B8B  }
0xa2: {  	_ =	swait.ge [sflag:s23], $0x1  }
0xa3: {  	[sflag:s23] =	ssyncset.done $0x0  }
0xa4: {  	s25 =	simm.s32 $0x1B8E;
	s24 =	sld [smem:$0x3FFE];
	[sflag:s23] =	ssyncadd.s32 $0xFFFFFFFF  }
0xa5: {  	s26 =	simm.s32 $execute0_lowered;
	[smem:$0x3FD2] =	sst s25  }
0xa6: {  	s5 =	sshll.u32 s26, $0x1;
	_ =	strace $0x80000046;
	[dreg:$0x1] =	wrdreg $0xFFFFFFFF  }
0xa7: {  	s28 =	simm.s32 $_size_execute0_lowered;
	s3 =	sadd.s32 s3, s5;
	[dreg:$0x0] =	wrdreg $0x0  }
0xa8: {  	s5 =	sshll.u32 s28, $0x1;
	[dreg:$0x2] =	wrdreg s3  }
0xa9: {  	[dreg:$0x3] =	wrdreg s5  }
0xaa: {  	[dreg:$0x4] =	wrdreg $0xC0  }
0xab: {  	_ =	task [dreg:s7], $0x5FFFF  }
0xac: {  	[dreg:$0x1] =	wrdreg $0xFFFFFFFF  }
0xad: {  	[dreg:$0x0] =	wrdreg $0x60  }
0xae: {  	[dreg:$0x2] =	wrdreg s2  }
0xaf: {  	[dreg:$0x3] =	wrdreg s24  }
0xb0: {  	[dreg:$0x4] =	wrdreg $0x9  }
0xb1: {  	_ =	task.clear_ibuf [dreg:s7], $0x5FFFF;
	_ =	strace $0x90000046  }
0xb2: {  	s29 =	simm.s32 $0x9;
	_ =	strace $0x80000048  }
0xb3: {  	_ =	swait.ge [sflag:s29], $0x1  }
0xb4: {  	[sflag:s29] =	ssyncadd.s32 $0xFFFFFFFF  }
0xb5: {  	_ =	strace $0x90000048  }
0xb6: {  	_ =	sfence  }
0xb7: {  	s30 =	sld [smem:$0x0];
	_ =	sdelay $0x2  }
0xb8: {  	s31 =	sshll.u32 s1, $0xD;
	s1 =	sshrl.u32 s1, $0x2  }
0xb9: {  	s3 =	sand.u32 $0x4000, s31;
	s1 =	sadd.s32 s1, s30  }
0xba: {  	s0 =	sor.u32 s3, s0;
	s1 =	sshll.u32 s1, $0x11  }
0xbb: {  	s0 =	sor.u32 s1, s0  }
0xbc: {  	s0 =	sadd.s32 $0x8F2B, s0  }
0xbd: {  	[sflag:s0] =	ssyncadd.remote.s32 $0x1  }
0xbe: {  	_ =	sfence.sel $0xFFFF  }
0xbf: {  	[dreg:$0x0] =	wrdreg $0xFFFFFFFF;
	(pc) =	sbr.abs _section_cstart, $3  }
0xc0: {  	[dreg:$0x1] =	wrdreg $0xFFFFFFFF  }
0xc1: {  	_ =	task.clear_ibuf [dreg:s7], $0x2FFFF;
	_ =	strace $0x9FFFFFFF  }
0xc2: {  	(tm) =	ssettm $0x7FFFFFFF  }
0xc3: {  	_ =	shalt  }
tec
execute0_lowered:
.L_overlay_start_1:
0x0: {  	(tag) =	ssettag $0x1  }
0x1: {  	s1 =	rddreg [dreg:$0x0]  }
0x2: {  	s4 =	rddreg [dreg:$0x1]  }
0x3: {  	s2 =	srdreg.scid;
	s0 =	rddreg [dreg:$0x2];
	s3 =	simm.s32 $0x0  }
0x4: {  	s10 =	simm.s32 $0x80;
	s11 =	simm.s32 $0x400;
	s12 =	simm.s32 $0x0  }
0x5: {  	s5 =	sand.u32 $0x1, s2;
	s2 =	stileid.u32;
	[smem:$0x7FF] =	sst s3  }
0x6: {  	s6 =	sshll.u32 s5, $0x4;
	s7 =	sshll.u32 s2, $0x4;
	_ =	strace $0x80000047  }
0x7: {  	s5 =	ssub.s32 $0x2, s5;
	s6 =	sor.u32 s2, s6;
	s7 =	sand.u32 $0x70, s7  }
0x8: {  	v0 =	vlaneseq.u32;
	s9 =	sshrl.u32 s5, $0x1;
	s8 =	sshll.u32 s6, $0x8;
	s7 =	sadd.s32 s7, s4  }
0x9: {  	v2 =	vmul.u32 $0xFFFFFFFF, v0;
	s4 =	sshll.u32 s6, $0x11;
	s31 =	ssub.s32 s5, s9;
	s8 =	sand.u32 $0x1800, s8  }
0xa: {  	s9 =	simm.s32 $0x1;
	s5 =	sadd.s32 s1, s4;
	s30 =	sadd.s32 s8, s7  }
0xb: {  	v1 =	vimm.f32 $1.000000000e+00;
	v0 =	vimm.f32 $0.0e+00;
	v2 =	vadd.s32 $0xF, v2;
	s7 =	smax.u32 s31, $0x1;
	s8 =	simm.s32 $0x880;
	s6 =	sadd.s32 $0x600, s30  }
.LBB2_1:
0xc: {  	s13 =	simm.s32 $0x0;
	s14 =	simm.s32 $0x200  }
.LBB2_2:
0xd: {  	p0 =	sne.s32 s14, $0x2000;
	[tilespmem:s13+$0x70] =	vst v0  }
0xe: {  	[tilespmem:s13+$0x0] =	vst v0  }
0xf: {  	[tilespmem:s13+$0x10] =	vst v0  }
.Ltmp0:
0x10: {  	[tilespmem:s13+$0x20] =	vst v0;
	(pc) =	sbr.rel @p0 .LBB2_2-.Ltmp0, $4  }
0x11: {  	[tilespmem:s13+$0x30] =	vst v0  }
0x12: {  	[tilespmem:s13+$0x40] =	vst v0  }
0x13: {  	[tilespmem:s13+$0x50] =	vst v0  }
0x14: {  	[tilespmem:s13+$0x60] =	vst v0;
	s13 =	sshra.s32 s14, $0x2;
	s14 =	sadd.s32 $0x200, s14  }
0x15: {  	[tilespmem:s13+$0x70] =	vst v0  }
0x16: {  	[tilespmem:s13+$0x0] =	vst v0  }
0x17: {  	[tilespmem:s13+$0x10] =	vst v0  }
0x18: {  	[tilespmem:s13+$0x20] =	vst v0  }
0x19: {  	[tilespmem:s13+$0x30] =	vst v0  }
0x1a: {  	[tilespmem:s13+$0x40] =	vst v0  }
0x1b: {  	[tilespmem:s13+$0x50] =	vst v0  }
0x1c: {  	[tilespmem:s13+$0x60] =	vst v0;
	s13 =	simm.s32 $0x0  }
0x1d: {  	s14 =	simm.s32 $0x1;
	s15 =	simm.s32 $0x0;
	s16 =	simm.s32 $0x0  }
0x1e: {  	[tilespmem:s8], [sflag:$0x1] =	stream.linear.gather [hbm4b:s5+s13], $0x4000, $0x38;
	[tilespmem:$0x8880] =	vst v63  }
.LBB2_4:
0x1f: {  	s17 =	smov.u32 s13;
	s13 =	sadd.s32 $0x1, s13  }
0x20: {  	p0 =	seq.s32 s13, $0x40  }
0x21: {  	s13 =	simm.s32 @p0 $0x0  }
0x22: {  	p6 =	sne.s32 s16, $0x3F;
	p1 =	sne.s32 s17, s13  }
0x23: {  	p0 =	por !p6, !p1  }
0x24: {  	p0 =	por !p0, !p0  }
0x25: {  	s29 =	sand.u32 $0x1, s15;
	s18 =	sshll.u32 @p0 s13, $0xB  }
0x26: {  	s30 =	sadd.s32 $0x1, s29;
	s17 =	sand.u32 @p0 $0x1, s14;
	s18 =	sadd.s32 @p0 s4, s18  }
0x27: {  	s20 =	simm.s32 @p0 $0x0;
	s19 =	sshll.u32 @p0 s17, $0xE;
	s18 =	sand.u32 @p0 $0x1FFFF800, s18  }
0x28: {  	s17 =	sadd.s32 @p0 $0x1, s17;
	s19 =	sor.u32 @p0 $0x880, s19;
	s18 =	sadd.s32 @p0 s1, s18  }
0x29: {  	[tilespmem:s19], [sflag:s17] =	stream.linear.gather @p0 [hbm4b:s18+s20], $0x4000, $0x38;
	[tilespmem:$0x8880] =	vst v63  }
0x2a: {  	_ =	swait.ge [sflag:s30], $0x4000  }
0x2b: {  	s17 =	sshll.u32 s29, $0xE;
	[sflag:s30] =	ssyncset.done $0x0  }
0x2c: {  	s31 =	sor.u32 $0x8C0, s17;
	[sflag:s30] =	ssyncadd.s32 $0xFFFFC000  }
0x2d: {  	v8 =	vld [tilespmem:s31+$0x30]  }
0x2e: {  	v3 =	vld [tilespmem:s31+$0xFFFFFFD0]  }
0x2f: {  	v4 =	vld [tilespmem:s31+$0xFFFFFFE0]  }
0x30: {  	v9 =	vld [tilespmem:s31+$0x0]  }
0x31: {  	v6 =	vld [tilespmem:s31+$0x10]  }
0x32: {  	v12 =	vld [tilespmem:s31+$0xFFFFFFC0]  }
0x33: {  	v5 =	vld [tilespmem:s31+$0xFFFFFFF0];
	v10 =	vadd.f32 $4.000000000e+00, v8  }
0x34: {  	v11 =	vadd.f32 $4.000000000e+00, v3;
	v3 =	vand.u32 $0x7FFFFFFF, v3  }
0x35: {  	v7 =	vld [tilespmem:s31+$0x20];
	v13 =	vadd.f32 $4.000000000e+00, v4;
	v4 =	vand.u32 $0x7FFFFFFF, v4;
	v10 =	vmul.f32 $2.560000000e+02, v10  }
0x36: {  	v16 =	vadd.f32 $4.000000000e+00, v9;
	v15 =	vand.u32 $0x7FFFFFFF, v8;
	v17 =	vadd.f32 $4.000000000e+00, v6  }
0x37: {  	v19 =	vadd.f32 $4.000000000e+00, v12;
	vm0 =	vle.f32 v15, $4.000000000e+00;
	v10 =	vtrunc.f32 v10  }
0x38: {  	v14 =	vmul.f32 $2.560000000e+02, v11;
	v11 =	vadd.f32 $4.000000000e+00, v5;
	v8 =	vcvt.f32.s32 v10  }
0x39: {  	v9 =	vand.u32 $0x7FFFFFFF, v9;
	v18 =	vmul.f32 $2.560000000e+02, v13;
	v16 =	vmul.f32 $2.560000000e+02, v16  }
0x3a: {  	v15 =	vmul.f32 $2.560000000e+02, v11;
	v11 =	vmul.f32 $2.560000000e+02, v17;
	v10 =	vadd.f32 $4.000000000e+00, v7  }
0x3b: {  	v13 =	vand.u32 $0x7FFFFFFF, v12;
	v12 =	vtrunc.f32 v14;
	v17 =	vmul.f32 $2.560000000e+02, v19  }
0x3c: {  	s17 =	simm.s32 $0x0;
	s18 =	sadd.s32 $0x80, s31;
	v5 =	vand.u32 $0x7FFFFFFF, v5;
	v14 =	vtrunc.f32 v18;
	v10 =	vmul.f32 $2.560000000e+02, v10  }
.LBB2_5:
0x3d: {  	v18 =	vld [tilespmem:s18+$0x30];
	v15 =	vtrunc.f32 v15;
	v16 =	vtrunc.f32 v16;
	v19 =	vand.u32 $0x7FFFFFFF, v6  }
0x3e: {  	s17 =	sadd.s32 $0x80, s17;
	v11 =	vtrunc.f32 v11;
	v6 =	vtrunc.f32 v17;
	v17 =	vand.u32 $0x7FFFFFFF, v7;
	[tilespmem:v8+s3+$0x0] =	vst.idx.add.f32.msk vm0, v1  }
0x3f: {  	p2 =	slt.u32 s17, $0x3F80;
	vm0 =	vle.f32 v13, $4.000000000e+00;
	v7 =	vld [tilespmem:s18+$0xFFFFFFD0];
	v8 =	vcvt.f32.s32 v6;
	v6 =	vtrunc.f32 v10  }
0x40: {  	v12 =	vcvt.f32.s32 v12;
	vm5 =	vle.f32 v3, $4.000000000e+00;
	v13 =	vcvt.f32.s32 v14;
	v10 =	vld [tilespmem:s18+$0xFFFFFFE0]  }
0x41: {  	vm3 =	vle.f32 v4, $4.000000000e+00;
	v20 =	vcvt.f32.s32 v15;
	v21 =	vcvt.f32.s32 v16;
	v14 =	vld [tilespmem:s18+$0xFFFFFFF0]  }
0x42: {  	vm4 =	vle.f32 v5, $4.000000000e+00;
	v23 =	vcvt.f32.s32 v11;
	v24 =	vcvt.f32.s32 v6;
	v22 =	vld [tilespmem:s18+$0x0]  }
0x43: {  	vm6 =	vle.f32 v9, $4.000000000e+00;
	vm2 =	vle.f32 v19, $4.000000000e+00;
	v5 =	vadd.f32 $4.000000000e+00, v18;
	v6 =	vld [tilespmem:s18+$0x10]  }
0x44: {  	vm1 =	vle.f32 v17, $4.000000000e+00;
	v9 =	vadd.f32 $4.000000000e+00, v7;
	v3 =	vand.u32 $0x7FFFFFFF, v7;
	v7 =	vld [tilespmem:s18+$0x20]  }
0x45: {  	v17 =	vld [tilespmem:s18+$0xFFFFFFC0];
	v11 =	vadd.f32 $4.000000000e+00, v10;
	v4 =	vand.u32 $0x7FFFFFFF, v10;
	v10 =	vmul.f32 $2.560000000e+02, v5  }
0x46: {  	v9 =	vmul.f32 $2.560000000e+02, v9;
	v15 =	vadd.f32 $4.000000000e+00, v14;
	v5 =	vand.u32 $0x7FFFFFFF, v14;
	[tilespmem:v8+s3+$0x0] =	vst.idx.add.f32.msk vm0, v1  }
0x47: {  	v14 =	vadd.f32 $4.000000000e+00, v22;
	v8 =	vtrunc.f32 v10;
	v10 =	vand.u32 $0x7FFFFFFF, v18;
	[tilespmem:v12+s3+$0x0] =	vst.idx.add.f32.msk vm5, v1  }
.Ltmp1:
0x48: {  	v12 =	vadd.f32 $4.000000000e+00, v6;
	v8 =	vcvt.f32.s32 v8;
	vm0 =	vle.f32 v10, $4.000000000e+00;
	[tilespmem:v13+s3+$0x0] =	vst.idx.add.f32.msk vm3, v1;
	(pc) =	sbr.rel @p2 .LBB2_5-.Ltmp1, $4  }
0x49: {  	v18 =	vmul.f32 $2.560000000e+02, v11;
	v15 =	vmul.f32 $2.560000000e+02, v15;
	v10 =	vadd.f32 $4.000000000e+00, v7;
	[tilespmem:v20+s3+$0x0] =	vst.idx.add.f32.msk vm4, v1  }
0x4a: {  	v16 =	vmul.f32 $2.560000000e+02, v14;
	v19 =	vadd.f32 $4.000000000e+00, v17;
	v11 =	vmul.f32 $2.560000000e+02, v12;
	[tilespmem:v21+s3+$0x0] =	vst.idx.add.f32.msk vm6, v1  }
0x4b: {  	v13 =	vand.u32 $0x7FFFFFFF, v17;
	v12 =	vtrunc.f32 v9;
	v10 =	vmul.f32 $2.560000000e+02, v10;
	[tilespmem:v23+s3+$0x0] =	vst.idx.add.f32.msk vm2, v1  }
0x4c: {  	s18 =	sadd.s32 $0x80, s18;
	v14 =	vtrunc.f32 v18;
	v9 =	vand.u32 $0x7FFFFFFF, v22;
	v17 =	vmul.f32 $2.560000000e+02, v19;
	[tilespmem:v24+s3+$0x0] =	vst.idx.add.f32.msk vm1, v1  }
0x4d: {  	v15 =	vtrunc.f32 v15  }
0x4e: {  	v57 =	vtrunc.f32 v16;
	v12 =	vcvt.f32.s32 v12;
	vm2 =	vle.f32 v3, $4.000000000e+00  }
0x4f: {  	v3 =	vand.u32 $0x7FFFFFFF, v6;
	v58 =	vcvt.f32.s32 v14;
	vm3 =	vle.f32 v4, $4.000000000e+00  }
0x50: {  	v59 =	vtrunc.f32 v11;
	vm4 =	vle.f32 v5, $4.000000000e+00;
	v60 =	vcvt.f32.s32 v15  }
0x51: {  	v61 =	vand.u32 $0x7FFFFFFF, v7;
	vm5 =	vle.f32 v9, $4.000000000e+00;
	v62 =	vcvt.f32.s32 v57  }
0x52: {  	v63 =	vtrunc.f32 v10;
	v4 =	vcvt.f32.s32 v59;
	vm15 =	vle.f32 v3, $4.000000000e+00  }
0x53: {  	[tilespmem:v8+s3+$0x0] =	vst.idx.add.f32.msk vm0, v1;
	v17 =	vtrunc.f32 v17;
	v3 =	vcvt.f32.s32 v63;
	vm6 =	vle.f32 v61, $4.000000000e+00  }
0x54: {  	vm1 =	vle.f32 v13, $4.000000000e+00;
	p2 =	seq.s32 s16, $0x3F;
	s17 =	simm.s32 $0x1;
	s16 =	sadd.s32 $0x1, s16;
	v17 =	vcvt.f32.s32 v17;
	[tilespmem:v12+s3+$0x0] =	vst.idx.add.f32.msk vm2, v1  }
0x55: {  	s17 =	simm.s32 @!p0 $0x0;
	p0 =	sne.s32 s16, $0x40;
	[tilespmem:v58+s3+$0x0] =	vst.idx.add.f32.msk vm3, v1  }
.Ltmp2:
0x56: {  	[tilespmem:v60+s3+$0x0] =	vst.idx.add.f32.msk vm4, v1;
	(pc) =	sbr.rel @p0 .LBB2_4-.Ltmp2, $4  }
0x57: {  	[tilespmem:v62+s3+$0x0] =	vst.idx.add.f32.msk vm5, v1  }
0x58: {  	s18 =	simm.s32 $0x1;
	p1 =	por p2, p1;
	[tilespmem:v4+s3+$0x0] =	vst.idx.add.f32.msk vm15, v1  }
0x59: {  	s18 =	simm.s32 @!p1 $0x0;
	[tilespmem:v3+s3+$0x0] =	vst.idx.add.f32.msk vm6, v1  }
0x5a: {  	s14 =	sadd.s32 s17, s14;
	s15 =	sadd.s32 s18, s15;
	[tilespmem:v17+s3+$0x0] =	vst.idx.add.f32.msk vm1, v1  }
0x5b: {  	v3 =	vld [tilespmem:$0x800];
	_ =	sdelay $0x1  }
0x5c: {  	v4 =	vld [tilespmem:$0x7F0];
	_ =	sdelay $0x2  }
0x5d: {  	v3 =	vperm.xlane v3, v2;
	_ =	sdelay $0x1  }
0x5e: {  	s12 =	sadd.s32 $0x1, s12;
	v3 =	vadd.f32 v3, v4  }
0x5f: {  	p0 =	sne.s32 s12, s7  }
.Ltmp3:
0x60: {  	[tilespmem:$0x7F0] =	vst v3;
	(pc) =	sbr.rel @p0 .LBB2_1-.Ltmp3, $4  }
0x61: {  	[hbm4b:s6+s10] =	stream.strided.scatter [tilespmem:s3], [sflag:$0x1], $0x800, s11, s10, $0x38;
	[tilespmem:$0x8880] =	vst v63  }
0x62: {  	_ =	swait.ge [sflag:s9], $0x800  }
0x63: {  	[sflag:s9] =	ssyncset.done $0x0  }
0x64: {  	[sflag:s9] =	ssyncadd.s32 $0xFFFFF800  }
0x65: {  	_ =	sfence.sel $0x180000  }
0x66: {  	[bflag:$0x0] =	sbarrier.arrive $0xFFFF  }
0x67: {  	p0 =	sne.s32 s2, $0x0;
	_ =	strace $0x90000047  }
0x68: {  	s0 =	sadd.s32 @!p0 $0x100000, s0;
	[bflag:$0x2] =	sbarrier.arrive $0xFFFF  }
0x69: {  	[sflag:s0] =	ssyncadd.tile.s32 @!p0 $0x1;
	_ =	shalt  }
.Lfunc_end2:
_tile_overlayer_lowered:
.L_overlay_start_2:
0x6a: {  	(tag) =	ssettag $0x2  }
0x6b: {  	s0 =	rddreg [dreg:$0x0];
	s2 =	stileid.u32  }
0x6c: {  	s1 =	rddreg [dreg:$0x1];
	p0 =	sne.s32 s2, $0x0  }
0x6d: {  	s3 =	rddreg [dreg:$0x2];
	[bflag:$0x3] =	sbarrier.arrive $0xFFFF;
	s2 =	simm.s32 @!p0 $0x1C01  }
0x6e: {  	[timem:s3], [sflag:s2] =	dma.local @!p0 [hbm:s0], s1  }
0x6f: {  	s0 =	simm.s32 @!p0 $0x1  }
0x70: {  	_ =	swait.ge @!p0 [sflag:s0], s1  }
0x71: {  	s1 =	ssub.s32 @!p0 $0x0, s1;
	[sflag:s0] =	ssyncset.done @!p0 $0x0  }
0x72: {  	[sflag:s0] =	ssyncadd.s32 @!p0 s1  }
0x73: {  	[bflag:$0x3] =	sbarrier.arrive $0xFFFF  }
0x74: {  	_ =	shalt  }

</sc_bundles>
